<compile_context>
chip_gen: v7x
topology: tpu7x:2x2x1
jax: 0.10.2.dev20260603
libtpu: 0.0.44.dev20260713+nightly
codegen_flags: <defaults>
</compile_context>

<pallas_src>
import functools

import jax
import jax.numpy as jnp
from jax import lax
from jax.experimental import pallas as pl
from jax.experimental.pallas import tpu as pltpu
from jax.experimental.pallas import tpu_sc as plsc

_HIDDEN = 1024
_LEN_DIM = 64
_B, _S, _NSPANS = 4, 2048, 512
_OUT_D = 2 * _HIDDEN + _LEN_DIM
_TOT = _B * _NSPANS
_NC, _NS, _L = 2, 16, 16
_NW = _NC * _NS
_SPW = _TOT // _NW
_CH = 32
_NCHUNK = _SPW // _CH


def _build():
    mesh = plsc.VectorSubcoreMesh(core_axis_name="c", subcore_axis_name="s")

    @functools.partial(
        pl.kernel,
        mesh=mesh,
        out_type=jax.ShapeDtypeStruct((_TOT, _OUT_D), jnp.float32),
        compiler_params=pltpu.CompilerParams(use_tc_tiling_on_sc=False),
        scratch_types=[
            pltpu.VMEM((_SPW,), jnp.int32),
            pltpu.VMEM((_SPW,), jnp.int32),
            pltpu.VMEM((_SPW,), jnp.int32),
            pltpu.VMEM((_CH, _HIDDEN), jnp.float32),
            pltpu.VMEM((_CH, _HIDDEN), jnp.float32),
            pltpu.VMEM((_SPW, 128), jnp.float32),
            pltpu.SemaphoreType.DMA,
        ],
    )
    def span_kernel(seq_hbm, sidx_hbm, eidx_hbm, lens_hbm, table_hbm, out_hbm,
                    sidx_v, eidx_v, lens_v, srow_v, erow_v, lrow_v,
                    gsem):
        wid = lax.axis_index("s") * _NC + lax.axis_index("c")
        base = wid * _SPW
        boff = (base // _NSPANS) * _S

        pltpu.sync_copy(sidx_hbm.at[pl.ds(base, _SPW)], sidx_v)
        pltpu.sync_copy(eidx_hbm.at[pl.ds(base, _SPW)], eidx_v)
        pltpu.sync_copy(lens_hbm.at[pl.ds(base, _SPW)], lens_v)

        lcp = pltpu.async_copy(table_hbm.at[lens_v], lrow_v, gsem)

        for j in range(_SPW // _L):
            sl = pl.ds(_L * j, _L)
            sidx_v[sl] = sidx_v[sl] + boff
            eidx_v[sl] = eidx_v[sl] + boff

        lcp.wait()
        pltpu.sync_copy(
            lrow_v.at[pl.ds(0, _SPW), pl.ds(0, _LEN_DIM)],
            out_hbm.at[pl.ds(base, _SPW), pl.ds(2 * _HIDDEN, _LEN_DIM)])

        for c in range(_NCHUNK):
            cb = base + c * _CH
            cps = pltpu.async_copy(
                seq_hbm.at[sidx_v.at[pl.ds(c * _CH, _CH)]], srow_v, gsem)
            cpe = pltpu.async_copy(
                seq_hbm.at[eidx_v.at[pl.ds(c * _CH, _CH)]], erow_v, gsem)
            cps.wait()
            cpe.wait()
            pltpu.sync_copy(
                srow_v, out_hbm.at[pl.ds(cb, _CH), pl.ds(0, _HIDDEN)])
            pltpu.sync_copy(
                erow_v, out_hbm.at[pl.ds(cb, _CH), pl.ds(_HIDDEN, _HIDDEN)])

    return span_kernel


_SPAN_KERNEL = _build()


def kernel(sequences_embed, span_token_idxes, span_lens, len_table):
    seq_flat = sequences_embed.reshape(_B * _S, _HIDDEN)
    idx32 = span_token_idxes.astype(jnp.int32)
    sidx_flat = idx32[..., 0].reshape(-1)
    eidx_flat = idx32[..., 1].reshape(-1)
    lens_flat = span_lens.astype(jnp.int32).reshape(-1)
    table_pad = jnp.pad(len_table, ((0, 0), (0, 128 - _LEN_DIM)))
    out = _SPAN_KERNEL(seq_flat, sidx_flat, eidx_flat, lens_flat, table_pad)
    return out.reshape(_B, _NSPANS, _OUT_D)

# --- scband reference (transcript-rebuilt; emitter-appended) ---
"""Pipeline reference for scband-span-layer-33097017983314 (READ-ONLY COPY).

The authoritative reference and input builder live on the scoring server;
editing this copy changes nothing except your own understanding.
"""

import jax, jax.numpy as jnp
import numpy as np

HIDDEN = 1024
SPAN_LEN_DIM = 64
MAX_SPAN_LEN = 30
B, S, NSPANS = 4, 2048, 512


def setup_inputs(seed: int = 0) -> dict:
    key = jax.random.key(seed)
    k1, k2, k3, k4 = jax.random.split(key, 4)
    sequences_embed = jax.random.normal(k1, (B, S, HIDDEN), dtype=jnp.float32)
    span_token_idxes = jax.random.randint(k2, (B, NSPANS, 2), 0, S, dtype=jnp.int64)
    span_lens = jax.random.randint(k3, (B, NSPANS), 0, MAX_SPAN_LEN + 1, dtype=jnp.int64)
    # nn.Embedding(max_span_len + 1, span_len_dim, padding_idx=0): row 0 zeroed
    len_table = jax.random.normal(k4, (MAX_SPAN_LEN + 1, SPAN_LEN_DIM), dtype=jnp.float32)
    len_table = len_table.at[0].set(0.0)
    return {
        "sequences_embed": sequences_embed,
        "span_token_idxes": span_token_idxes,
        "span_lens": span_lens,
        "len_table": len_table,
    }


def reference(sequences_embed, span_token_idxes, span_lens, len_table):
    # EndpointSpanExtractor with default combination 'x,y':
    # gather start and end token embeddings and concatenate.
    b, s, d = sequences_embed.shape
    n = span_token_idxes.shape[1]
    start_idx = span_token_idxes[:, :, 0]
    end_idx = span_token_idxes[:, :, 1]
    start_emb = jnp.take_along_axis(
        sequences_embed, jnp.broadcast_to(start_idx[:, :, None], (b, n, d)), axis=1
    )
    end_emb = jnp.take_along_axis(
        sequences_embed, jnp.broadcast_to(end_idx[:, :, None], (b, n, d)), axis=1
    )
    span_endpoints_rep = jnp.concatenate([start_emb, end_emb], axis=-1)
    # Embedding lookup with padding_idx=0 semantics
    span_len_rep = jnp.take(len_table, span_lens, axis=0)
    span_len_rep = span_len_rep * (span_lens != 0)[:, :, None].astype(span_len_rep.dtype)
    span_rep = jnp.concatenate([span_endpoints_rep, span_len_rep], axis=-1)
    return span_rep

if __name__ == "__main__":
    import jax
    _d = setup_inputs()
    print(jax.jit(kernel)(*tuple(_d.values())))

</pallas_src>

<mosaic_0001>
#map = affine_map<(d0, d1) -> (0, 0)>
#map1 = affine_map<(d0, d1) -> (0)>
module attributes {stable_mosaic.version = 14 : i64} {
  func.func @span_kernel(%arg0: i32, %arg1: i32, %arg2: memref<8192x1024xf32, #tpu.memory_space<hbm>>, %arg3: memref<2048xi32, #tpu.memory_space<hbm>>, %arg4: memref<2048xi32, #tpu.memory_space<hbm>>, %arg5: memref<2048xi32, #tpu.memory_space<hbm>>, %arg6: memref<31x128xf32, #tpu.memory_space<hbm>>, %arg7: memref<2048x2112xf32, #tpu.memory_space<hbm>>, %arg8: memref<64xi32, #tpu.memory_space<vmem>>, %arg9: memref<64xi32, #tpu.memory_space<vmem>>, %arg10: memref<64xi32, #tpu.memory_space<vmem>>, %arg11: memref<32x1024xf32, #tpu.memory_space<vmem>>, %arg12: memref<32x1024xf32, #tpu.memory_space<vmem>>, %arg13: memref<64x128xf32, #tpu.memory_space<vmem>>, %arg14: memref<!tpu.dma_semaphore, #tpu.memory_space<semaphore_mem>>) attributes {dimension_semantics = [#tpu.dimension_semantics<core_parallel>, #tpu.dimension_semantics<subcore_parallel>], iteration_bounds = array<i64: 2, 16>, scalar_prefetch = 0 : i64, scratch_operands = 7 : i64, tpu.core_type = #tpu.core_type<sc_vector_subcore>, window_params = [{transform_indices = #map}, {transform_indices = #map1}, {transform_indices = #map1}, {transform_indices = #map1}, {transform_indices = #map}, {transform_indices = #map}]} {
    %mul3A = arith.constant 2 : i32
    %mul3A_0 = arith.muli %arg1, %mul3A : i32
    %add3A = arith.addi %mul3A_0, %arg0 : i32
    %mul3A_1 = arith.constant 64 : i32
    %mul3A_2 = arith.muli %add3A, %mul3A_1 : i32
    %jit3A = arith.constant 512 : i32
    %div3A = arith.divsi %mul3A_2, %jit3A : i32
    %sign3A = arith.constant 0 : i32
    %sign3A_3 = arith.cmpi sgt, %mul3A_2, %sign3A : i32
    %sign3A_4 = arith.extui %sign3A_3 : i1 to i32
    %sign3A_5 = arith.constant 0 : i32
    %sign3A_6 = arith.cmpi slt, %mul3A_2, %sign3A_5 : i32
    %sign3A_7 = arith.extui %sign3A_6 : i1 to i32
    %sign3A_8 = arith.subi %sign3A_4, %sign3A_7 : i32
    %sign3A_9 = arith.constant 0 : i32
    %sign3A_10 = arith.cmpi sgt, %jit3A, %sign3A_9 : i32
    %sign3A_11 = arith.extui %sign3A_10 : i1 to i32
    %sign3A_12 = arith.constant 0 : i32
    %sign3A_13 = arith.cmpi slt, %jit3A, %sign3A_12 : i32
    %sign3A_14 = arith.extui %sign3A_13 : i1 to i32
    %sign3A_15 = arith.subi %sign3A_11, %sign3A_14 : i32
    %ne3A = arith.cmpi ne, %sign3A_8, %sign3A_15 : i32
    %rem3A = arith.remsi %mul3A_2, %jit3A : i32
    %ne3A_16 = arith.constant 0 : i32
    %ne3A_17 = arith.cmpi ne, %rem3A, %ne3A_16 : i32
    %and3A = arith.andi %ne3A, %ne3A_17 : i1
    %sub3A = arith.constant 1 : i32
    %sub3A_18 = arith.subi %div3A, %sub3A : i32
    %select_n3A = arith.select %and3A, %sub3A_18, %div3A : i32
    %mul3A_19 = arith.constant 2048 : i32
    %mul3A_20 = arith.muli %select_n3A, %mul3A_19 : i32
    "tpu.region"() ({
      %run_scoped3A = tpu.sem_alloc : memref<!tpu.dma_semaphore, #tpu.memory_space<semaphore_mem>>
      %dma_start3A_139 = tpu.memref_slice %arg3[%mul3A_2] : memref<2048xi32, #tpu.memory_space<hbm>> -> memref<64xi32, #tpu.memory_space<hbm>>
      %dma_start3A_140 = tpu.memref_slice %arg3[%mul3A_2] : memref<2048xi32, #tpu.memory_space<hbm>> -> memref<64xi32, #tpu.memory_space<hbm>>
      tpu.enqueue_dma source(%dma_start3A_140 : memref<64xi32, #tpu.memory_space<hbm>>) target(%arg8 : memref<64xi32, #tpu.memory_space<vmem>>) target_semaphore(%run_scoped3A : memref<!tpu.dma_semaphore, #tpu.memory_space<semaphore_mem>>)
      %dma_wait3A_141 = tpu.memref_slice %arg3[%mul3A_2] : memref<2048xi32, #tpu.memory_space<hbm>> -> memref<64xi32, #tpu.memory_space<hbm>>
      %dma_wait3A_142 = tpu.memref_slice %arg3[%mul3A_2] : memref<2048xi32, #tpu.memory_space<hbm>> -> memref<64xi32, #tpu.memory_space<hbm>>
      tpu.wait_dma2 semaphore(%run_scoped3A : memref<!tpu.dma_semaphore, #tpu.memory_space<semaphore_mem>>) src(%dma_wait3A_142 : memref<64xi32, #tpu.memory_space<hbm>>) dst(%arg8 : memref<64xi32, #tpu.memory_space<vmem>>)
      tpu.yield
    }) : () -> ()
    "tpu.region"() ({
      %run_scoped3A = tpu.sem_alloc : memref<!tpu.dma_semaphore, #tpu.memory_space<semaphore_mem>>
      %dma_start3A_139 = tpu.memref_slice %arg4[%mul3A_2] : memref<2048xi32, #tpu.memory_space<hbm>> -> memref<64xi32, #tpu.memory_space<hbm>>
      %dma_start3A_140 = tpu.memref_slice %arg4[%mul3A_2] : memref<2048xi32, #tpu.memory_space<hbm>> -> memref<64xi32, #tpu.memory_space<hbm>>
      tpu.enqueue_dma source(%dma_start3A_140 : memref<64xi32, #tpu.memory_space<hbm>>) target(%arg9 : memref<64xi32, #tpu.memory_space<vmem>>) target_semaphore(%run_scoped3A : memref<!tpu.dma_semaphore, #tpu.memory_space<semaphore_mem>>)
      %dma_wait3A_141 = tpu.memref_slice %arg4[%mul3A_2] : memref<2048xi32, #tpu.memory_space<hbm>> -> memref<64xi32, #tpu.memory_space<hbm>>
      %dma_wait3A_142 = tpu.memref_slice %arg4[%mul3A_2] : memref<2048xi32, #tpu.memory_space<hbm>> -> memref<64xi32, #tpu.memory_space<hbm>>
      tpu.wait_dma2 semaphore(%run_scoped3A : memref<!tpu.dma_semaphore, #tpu.memory_space<semaphore_mem>>) src(%dma_wait3A_142 : memref<64xi32, #tpu.memory_space<hbm>>) dst(%arg9 : memref<64xi32, #tpu.memory_space<vmem>>)
      tpu.yield
    }) : () -> ()
    "tpu.region"() ({
      %run_scoped3A = tpu.sem_alloc : memref<!tpu.dma_semaphore, #tpu.memory_space<semaphore_mem>>
      %dma_start3A_139 = tpu.memref_slice %arg5[%mul3A_2] : memref<2048xi32, #tpu.memory_space<hbm>> -> memref<64xi32, #tpu.memory_space<hbm>>
      %dma_start3A_140 = tpu.memref_slice %arg5[%mul3A_2] : memref<2048xi32, #tpu.memory_space<hbm>> -> memref<64xi32, #tpu.memory_space<hbm>>
      tpu.enqueue_dma source(%dma_start3A_140 : memref<64xi32, #tpu.memory_space<hbm>>) target(%arg10 : memref<64xi32, #tpu.memory_space<vmem>>) target_semaphore(%run_scoped3A : memref<!tpu.dma_semaphore, #tpu.memory_space<semaphore_mem>>)
      %dma_wait3A_141 = tpu.memref_slice %arg5[%mul3A_2] : memref<2048xi32, #tpu.memory_space<hbm>> -> memref<64xi32, #tpu.memory_space<hbm>>
      %dma_wait3A_142 = tpu.memref_slice %arg5[%mul3A_2] : memref<2048xi32, #tpu.memory_space<hbm>> -> memref<64xi32, #tpu.memory_space<hbm>>
      tpu.wait_dma2 semaphore(%run_scoped3A : memref<!tpu.dma_semaphore, #tpu.memory_space<semaphore_mem>>) src(%dma_wait3A_142 : memref<64xi32, #tpu.memory_space<hbm>>) dst(%arg10 : memref<64xi32, #tpu.memory_space<vmem>>)
      tpu.yield
    }) : () -> ()
    %dma_start3A = arith.constant 0 : i32
    %dma_start3A_21 = arith.constant 0 : i32
    %dma_start3A_22 = tpu.memref_slice %arg6[%dma_start3A, %dma_start3A_21] : memref<31x128xf32, #tpu.memory_space<hbm>> -> memref<31x128xf32, #tpu.memory_space<hbm>>
    tpu.enqueue_indirect_dma source(%dma_start3A_22 : memref<31x128xf32, #tpu.memory_space<hbm>>) target(%arg13 : memref<64x128xf32, #tpu.memory_space<vmem>>) offsets(%arg10 : memref<64xi32, #tpu.memory_space<vmem>>) semaphore(%arg14 : memref<!tpu.dma_semaphore, #tpu.memory_space<semaphore_mem>>)
    %get3A = arith.constant 0 : index
    %get3A_23 = tpu.vector_load %arg8[%get3A] {strides = array<i32>} : memref<64xi32, #tpu.memory_space<vmem>>, vector<16xi32>,
    %get3A_24 = vector.shape_cast %get3A_23 : vector<16xi32> to vector<16xi32>
    %add3A_25 = vector.broadcast %mul3A_20 : i32 to vector<16xi32>
    %add3A_26 = arith.addi %get3A_24, %add3A_25 : vector<16xi32>
    %swap3A = arith.constant 0 : index
    %swap3A_27 = tpu.vector_load %arg8[%swap3A] {strides = array<i32>} : memref<64xi32, #tpu.memory_space<vmem>>, vector<16xi32>,
    %swap3A_28 = vector.shape_cast %swap3A_27 : vector<16xi32> to vector<16xi32>
    %swap3A_29 = vector.shape_cast %add3A_26 : vector<16xi32> to vector<16xi32>
    tpu.vector_store %arg8[%swap3A], %swap3A_29 {strides = array<i32>} : memref<64xi32, #tpu.memory_space<vmem>>, vector<16xi32>,
    %get3A_30 = arith.constant 0 : index
    %get3A_31 = tpu.vector_load %arg9[%get3A_30] {strides = array<i32>} : memref<64xi32, #tpu.memory_space<vmem>>, vector<16xi32>,
    %get3A_32 = vector.shape_cast %get3A_31 : vector<16xi32> to vector<16xi32>
    %add3A_33 = vector.broadcast %mul3A_20 : i32 to vector<16xi32>
    %add3A_34 = arith.addi %get3A_32, %add3A_33 : vector<16xi32>
    %swap3A_35 = arith.constant 0 : index
    %swap3A_36 = tpu.vector_load %arg9[%swap3A_35] {strides = array<i32>} : memref<64xi32, #tpu.memory_space<vmem>>, vector<16xi32>,
    %swap3A_37 = vector.shape_cast %swap3A_36 : vector<16xi32> to vector<16xi32>
    %swap3A_38 = vector.shape_cast %add3A_34 : vector<16xi32> to vector<16xi32>
    tpu.vector_store %arg9[%swap3A_35], %swap3A_38 {strides = array<i32>} : memref<64xi32, #tpu.memory_space<vmem>>, vector<16xi32>,
    %get3A_39 = arith.constant 16 : index
    %get3A_40 = tpu.vector_load %arg8[%get3A_39] {strides = array<i32>} : memref<64xi32, #tpu.memory_space<vmem>>, vector<16xi32>,
    %get3A_41 = vector.shape_cast %get3A_40 : vector<16xi32> to vector<16xi32>
    %add3A_42 = vector.broadcast %mul3A_20 : i32 to vector<16xi32>
    %add3A_43 = arith.addi %get3A_41, %add3A_42 : vector<16xi32>
    %swap3A_44 = arith.constant 16 : index
    %swap3A_45 = tpu.vector_load %arg8[%swap3A_44] {strides = array<i32>} : memref<64xi32, #tpu.memory_space<vmem>>, vector<16xi32>,
    %swap3A_46 = vector.shape_cast %swap3A_45 : vector<16xi32> to vector<16xi32>
    %swap3A_47 = vector.shape_cast %add3A_43 : vector<16xi32> to vector<16xi32>
    tpu.vector_store %arg8[%swap3A_44], %swap3A_47 {strides = array<i32>} : memref<64xi32, #tpu.memory_space<vmem>>, vector<16xi32>,
    %get3A_48 = arith.constant 16 : index
    %get3A_49 = tpu.vector_load %arg9[%get3A_48] {strides = array<i32>} : memref<64xi32, #tpu.memory_space<vmem>>, vector<16xi32>,
    %get3A_50 = vector.shape_cast %get3A_49 : vector<16xi32> to vector<16xi32>
    %add3A_51 = vector.broadcast %mul3A_20 : i32 to vector<16xi32>
    %add3A_52 = arith.addi %get3A_50, %add3A_51 : vector<16xi32>
    %swap3A_53 = arith.constant 16 : index
    %swap3A_54 = tpu.vector_load %arg9[%swap3A_53] {strides = array<i32>} : memref<64xi32, #tpu.memory_space<vmem>>, vector<16xi32>,
    %swap3A_55 = vector.shape_cast %swap3A_54 : vector<16xi32> to vector<16xi32>
    %swap3A_56 = vector.shape_cast %add3A_52 : vector<16xi32> to vector<16xi32>
    tpu.vector_store %arg9[%swap3A_53], %swap3A_56 {strides = array<i32>} : memref<64xi32, #tpu.memory_space<vmem>>, vector<16xi32>,
    %get3A_57 = arith.constant 32 : index
    %get3A_58 = tpu.vector_load %arg8[%get3A_57] {strides = array<i32>} : memref<64xi32, #tpu.memory_space<vmem>>, vector<16xi32>,
    %get3A_59 = vector.shape_cast %get3A_58 : vector<16xi32> to vector<16xi32>
    %add3A_60 = vector.broadcast %mul3A_20 : i32 to vector<16xi32>
    %add3A_61 = arith.addi %get3A_59, %add3A_60 : vector<16xi32>
    %swap3A_62 = arith.constant 32 : index
    %swap3A_63 = tpu.vector_load %arg8[%swap3A_62] {strides = array<i32>} : memref<64xi32, #tpu.memory_space<vmem>>, vector<16xi32>,
    %swap3A_64 = vector.shape_cast %swap3A_63 : vector<16xi32> to vector<16xi32>
    %swap3A_65 = vector.shape_cast %add3A_61 : vector<16xi32> to vector<16xi32>
    tpu.vector_store %arg8[%swap3A_62], %swap3A_65 {strides = array<i32>} : memref<64xi32, #tpu.memory_space<vmem>>, vector<16xi32>,
    %get3A_66 = arith.constant 32 : index
    %get3A_67 = tpu.vector_load %arg9[%get3A_66] {strides = array<i32>} : memref<64xi32, #tpu.memory_space<vmem>>, vector<16xi32>,
    %get3A_68 = vector.shape_cast %get3A_67 : vector<16xi32> to vector<16xi32>
    %add3A_69 = vector.broadcast %mul3A_20 : i32 to vector<16xi32>
    %add3A_70 = arith.addi %get3A_68, %add3A_69 : vector<16xi32>
    %swap3A_71 = arith.constant 32 : index
    %swap3A_72 = tpu.vector_load %arg9[%swap3A_71] {strides = array<i32>} : memref<64xi32, #tpu.memory_space<vmem>>, vector<16xi32>,
    %swap3A_73 = vector.shape_cast %swap3A_72 : vector<16xi32> to vector<16xi32>
    %swap3A_74 = vector.shape_cast %add3A_70 : vector<16xi32> to vector<16xi32>
    tpu.vector_store %arg9[%swap3A_71], %swap3A_74 {strides = array<i32>} : memref<64xi32, #tpu.memory_space<vmem>>, vector<16xi32>,
    %get3A_75 = arith.constant 48 : index
    %get3A_76 = tpu.vector_load %arg8[%get3A_75] {strides = array<i32>} : memref<64xi32, #tpu.memory_space<vmem>>, vector<16xi32>,
    %get3A_77 = vector.shape_cast %get3A_76 : vector<16xi32> to vector<16xi32>
    %add3A_78 = vector.broadcast %mul3A_20 : i32 to vector<16xi32>
    %add3A_79 = arith.addi %get3A_77, %add3A_78 : vector<16xi32>
    %swap3A_80 = arith.constant 48 : index
    %swap3A_81 = tpu.vector_load %arg8[%swap3A_80] {strides = array<i32>} : memref<64xi32, #tpu.memory_space<vmem>>, vector<16xi32>,
    %swap3A_82 = vector.shape_cast %swap3A_81 : vector<16xi32> to vector<16xi32>
    %swap3A_83 = vector.shape_cast %add3A_79 : vector<16xi32> to vector<16xi32>
    tpu.vector_store %arg8[%swap3A_80], %swap3A_83 {strides = array<i32>} : memref<64xi32, #tpu.memory_space<vmem>>, vector<16xi32>,
    %get3A_84 = arith.constant 48 : index
    %get3A_85 = tpu.vector_load %arg9[%get3A_84] {strides = array<i32>} : memref<64xi32, #tpu.memory_space<vmem>>, vector<16xi32>,
    %get3A_86 = vector.shape_cast %get3A_85 : vector<16xi32> to vector<16xi32>
    %add3A_87 = vector.broadcast %mul3A_20 : i32 to vector<16xi32>
    %add3A_88 = arith.addi %get3A_86, %add3A_87 : vector<16xi32>
    %swap3A_89 = arith.constant 48 : index
    %swap3A_90 = tpu.vector_load %arg9[%swap3A_89] {strides = array<i32>} : memref<64xi32, #tpu.memory_space<vmem>>, vector<16xi32>,
    %swap3A_91 = vector.shape_cast %swap3A_90 : vector<16xi32> to vector<16xi32>
    %swap3A_92 = vector.shape_cast %add3A_88 : vector<16xi32> to vector<16xi32>
    tpu.vector_store %arg9[%swap3A_89], %swap3A_92 {strides = array<i32>} : memref<64xi32, #tpu.memory_space<vmem>>, vector<16xi32>,
    %dma_wait3A = arith.constant 0 : i32
    %dma_wait3A_93 = arith.constant 0 : i32
    %dma_wait3A_94 = tpu.memref_slice %arg6[%dma_wait3A, %dma_wait3A_93] : memref<31x128xf32, #tpu.memory_space<hbm>> -> memref<31x128xf32, #tpu.memory_space<hbm>>
    tpu.wait_indirect_dma semaphore(%arg14 : memref<!tpu.dma_semaphore, #tpu.memory_space<semaphore_mem>>) src(%dma_wait3A_94 : memref<31x128xf32, #tpu.memory_space<hbm>>) dst(%arg13 : memref<64x128xf32, #tpu.memory_space<vmem>>)
    "tpu.region"() ({
      %run_scoped3A = tpu.sem_alloc : memref<!tpu.dma_semaphore, #tpu.memory_space<semaphore_mem>>
      %dma_start3A_139 = arith.constant 0 : i32
      %dma_start3A_140 = arith.constant 0 : i32
      %dma_start3A_141 = tpu.memref_slice %arg13[%dma_start3A_139, %dma_start3A_140] : memref<64x128xf32, #tpu.memory_space<vmem>> -> memref<64x64xf32, #tpu.memory_space<vmem>>
      %dma_start3A_142 = arith.constant 2048 : i32
      %dma_start3A_143 = tpu.memref_slice %arg7[%mul3A_2, %dma_start3A_142] : memref<2048x2112xf32, #tpu.memory_space<hbm>> -> memref<64x64xf32, #tpu.memory_space<hbm>>
      %dma_start3A_144 = arith.constant 2048 : i32
      %dma_start3A_145 = tpu.memref_slice %arg7[%mul3A_2, %dma_start3A_144] : memref<2048x2112xf32, #tpu.memory_space<hbm>> -> memref<64x64xf32, #tpu.memory_space<hbm>>
      %dma_start3A_146 = arith.constant 0 : i32
      %dma_start3A_147 = arith.constant 0 : i32
      %dma_start3A_148 = tpu.memref_slice %arg13[%dma_start3A_146, %dma_start3A_147] : memref<64x128xf32, #tpu.memory_space<vmem>> -> memref<64x64xf32, #tpu.memory_space<vmem>>
      tpu.enqueue_dma source(%dma_start3A_148 : memref<64x64xf32, #tpu.memory_space<vmem>>) target(%dma_start3A_145 : memref<64x64xf32, #tpu.memory_space<hbm>>) target_semaphore(%run_scoped3A : memref<!tpu.dma_semaphore, #tpu.memory_space<semaphore_mem>>)
      %dma_wait3A_149 = arith.constant 0 : i32
      %dma_wait3A_150 = arith.constant 0 : i32
      %dma_wait3A_151 = tpu.memref_slice %arg13[%dma_wait3A_149, %dma_wait3A_150] : memref<64x128xf32, #tpu.memory_space<vmem>> -> memref<64x64xf32, #tpu.memory_space<vmem>>
      %dma_wait3A_152 = arith.constant 2048 : i32
      %dma_wait3A_153 = tpu.memref_slice %arg7[%mul3A_2, %dma_wait3A_152] : memref<2048x2112xf32, #tpu.memory_space<hbm>> -> memref<64x64xf32, #tpu.memory_space<hbm>>
      %dma_wait3A_154 = arith.constant 2048 : i32
      %dma_wait3A_155 = tpu.memref_slice %arg7[%mul3A_2, %dma_wait3A_154] : memref<2048x2112xf32, #tpu.memory_space<hbm>> -> memref<64x64xf32, #tpu.memory_space<hbm>>
      %dma_wait3A_156 = arith.constant 0 : i32
      %dma_wait3A_157 = arith.constant 0 : i32
      %dma_wait3A_158 = tpu.memref_slice %arg13[%dma_wait3A_156, %dma_wait3A_157] : memref<64x128xf32, #tpu.memory_space<vmem>> -> memref<64x64xf32, #tpu.memory_space<vmem>>
      tpu.wait_dma2 semaphore(%run_scoped3A : memref<!tpu.dma_semaphore, #tpu.memory_space<semaphore_mem>>) src(%dma_wait3A_158 : memref<64x64xf32, #tpu.memory_space<vmem>>) dst(%dma_wait3A_155 : memref<64x64xf32, #tpu.memory_space<hbm>>)
      tpu.yield
    }) : () -> ()
    %add3A_95 = arith.constant 0 : i32
    %add3A_96 = arith.addi %mul3A_2, %add3A_95 : i32
    %dma_start3A_97 = arith.constant 0 : i32
    %dma_start3A_98 = tpu.memref_slice %arg8[%dma_start3A_97] : memref<64xi32, #tpu.memory_space<vmem>> -> memref<32xi32, #tpu.memory_space<vmem>>
    %dma_start3A_99 = arith.constant 0 : i32
    %dma_start3A_100 = arith.constant 0 : i32
    %dma_start3A_101 = tpu.memref_slice %arg2[%dma_start3A_99, %dma_start3A_100] : memref<8192x1024xf32, #tpu.memory_space<hbm>> -> memref<8192x1024xf32, #tpu.memory_space<hbm>>
    tpu.enqueue_indirect_dma source(%dma_start3A_101 : memref<8192x1024xf32, #tpu.memory_space<hbm>>) target(%arg11 : memref<32x1024xf32, #tpu.memory_space<vmem>>) offsets(%dma_start3A_98 : memref<32xi32, #tpu.memory_space<vmem>>) semaphore(%arg14 : memref<!tpu.dma_semaphore, #tpu.memory_space<semaphore_mem>>)
    %dma_start3A_102 = arith.constant 0 : i32
    %dma_start3A_103 = tpu.memref_slice %arg9[%dma_start3A_102] : memref<64xi32, #tpu.memory_space<vmem>> -> memref<32xi32, #tpu.memory_space<vmem>>
    %dma_start3A_104 = arith.constant 0 : i32
    %dma_start3A_105 = arith.constant 0 : i32
    %dma_start3A_106 = tpu.memref_slice %arg2[%dma_start3A_104, %dma_start3A_105] : memref<8192x1024xf32, #tpu.memory_space<hbm>> -> memref<8192x1024xf32, #tpu.memory_space<hbm>>
    tpu.enqueue_indirect_dma source(%dma_start3A_106 : memref<8192x1024xf32, #tpu.memory_space<hbm>>) target(%arg12 : memref<32x1024xf32, #tpu.memory_space<vmem>>) offsets(%dma_start3A_103 : memref<32xi32, #tpu.memory_space<vmem>>) semaphore(%arg14 : memref<!tpu.dma_semaphore, #tpu.memory_space<semaphore_mem>>)
    %dma_wait3A_107 = arith.constant 0 : i32
    %dma_wait3A_108 = tpu.memref_slice %arg8[%dma_wait3A_107] : memref<64xi32, #tpu.memory_space<vmem>> -> memref<32xi32, #tpu.memory_space<vmem>>
    %dma_wait3A_109 = arith.constant 0 : i32
    %dma_wait3A_110 = arith.constant 0 : i32
    %dma_wait3A_111 = tpu.memref_slice %arg2[%dma_wait3A_109, %dma_wait3A_110] : memref<8192x1024xf32, #tpu.memory_space<hbm>> -> memref<8192x1024xf32, #tpu.memory_space<hbm>>
    tpu.wait_indirect_dma semaphore(%arg14 : memref<!tpu.dma_semaphore, #tpu.memory_space<semaphore_mem>>) src(%dma_wait3A_111 : memref<8192x1024xf32, #tpu.memory_space<hbm>>) dst(%arg11 : memref<32x1024xf32, #tpu.memory_space<vmem>>)
    %dma_wait3A_112 = arith.constant 0 : i32
    %dma_wait3A_113 = tpu.memref_slice %arg9[%dma_wait3A_112] : memref<64xi32, #tpu.memory_space<vmem>> -> memref<32xi32, #tpu.memory_space<vmem>>
    %dma_wait3A_114 = arith.constant 0 : i32
    %dma_wait3A_115 = arith.constant 0 : i32
    %dma_wait3A_116 = tpu.memref_slice %arg2[%dma_wait3A_114, %dma_wait3A_115] : memref<8192x1024xf32, #tpu.memory_space<hbm>> -> memref<8192x1024xf32, #tpu.memory_space<hbm>>
    tpu.wait_indirect_dma semaphore(%arg14 : memref<!tpu.dma_semaphore, #tpu.memory_space<semaphore_mem>>) src(%dma_wait3A_116 : memref<8192x1024xf32, #tpu.memory_space<hbm>>) dst(%arg12 : memref<32x1024xf32, #tpu.memory_space<vmem>>)
    "tpu.region"() ({
      %run_scoped3A = tpu.sem_alloc : memref<!tpu.dma_semaphore, #tpu.memory_space<semaphore_mem>>
      %dma_start3A_139 = arith.constant 0 : i32
      %dma_start3A_140 = tpu.memref_slice %arg7[%add3A_96, %dma_start3A_139] : memref<2048x2112xf32, #tpu.memory_space<hbm>> -> memref<32x1024xf32, #tpu.memory_space<hbm>>
      %dma_start3A_141 = arith.constant 0 : i32
      %dma_start3A_142 = tpu.memref_slice %arg7[%add3A_96, %dma_start3A_141] : memref<2048x2112xf32, #tpu.memory_space<hbm>> -> memref<32x1024xf32, #tpu.memory_space<hbm>>
      tpu.enqueue_dma source(%arg11 : memref<32x1024xf32, #tpu.memory_space<vmem>>) target(%dma_start3A_142 : memref<32x1024xf32, #tpu.memory_space<hbm>>) target_semaphore(%run_scoped3A : memref<!tpu.dma_semaphore, #tpu.memory_space<semaphore_mem>>)
      %dma_wait3A_143 = arith.constant 0 : i32
      %dma_wait3A_144 = tpu.memref_slice %arg7[%add3A_96, %dma_wait3A_143] : memref<2048x2112xf32, #tpu.memory_space<hbm>> -> memref<32x1024xf32, #tpu.memory_space<hbm>>
      %dma_wait3A_145 = arith.constant 0 : i32
      %dma_wait3A_146 = tpu.memref_slice %arg7[%add3A_96, %dma_wait3A_145] : memref<2048x2112xf32, #tpu.memory_space<hbm>> -> memref<32x1024xf32, #tpu.memory_space<hbm>>
      tpu.wait_dma2 semaphore(%run_scoped3A : memref<!tpu.dma_semaphore, #tpu.memory_space<semaphore_mem>>) src(%arg11 : memref<32x1024xf32, #tpu.memory_space<vmem>>) dst(%dma_wait3A_146 : memref<32x1024xf32, #tpu.memory_space<hbm>>)
      tpu.yield
    }) : () -> ()
    "tpu.region"() ({
      %run_scoped3A = tpu.sem_alloc : memref<!tpu.dma_semaphore, #tpu.memory_space<semaphore_mem>>
      %dma_start3A_139 = arith.constant 1024 : i32
      %dma_start3A_140 = tpu.memref_slice %arg7[%add3A_96, %dma_start3A_139] : memref<2048x2112xf32, #tpu.memory_space<hbm>> -> memref<32x1024xf32, #tpu.memory_space<hbm>>
      %dma_start3A_141 = arith.constant 1024 : i32
      %dma_start3A_142 = tpu.memref_slice %arg7[%add3A_96, %dma_start3A_141] : memref<2048x2112xf32, #tpu.memory_space<hbm>> -> memref<32x1024xf32, #tpu.memory_space<hbm>>
      tpu.enqueue_dma source(%arg12 : memref<32x1024xf32, #tpu.memory_space<vmem>>) target(%dma_start3A_142 : memref<32x1024xf32, #tpu.memory_space<hbm>>) target_semaphore(%run_scoped3A : memref<!tpu.dma_semaphore, #tpu.memory_space<semaphore_mem>>)
      %dma_wait3A_143 = arith.constant 1024 : i32
      %dma_wait3A_144 = tpu.memref_slice %arg7[%add3A_96, %dma_wait3A_143] : memref<2048x2112xf32, #tpu.memory_space<hbm>> -> memref<32x1024xf32, #tpu.memory_space<hbm>>
      %dma_wait3A_145 = arith.constant 1024 : i32
      %dma_wait3A_146 = tpu.memref_slice %arg7[%add3A_96, %dma_wait3A_145] : memref<2048x2112xf32, #tpu.memory_space<hbm>> -> memref<32x1024xf32, #tpu.memory_space<hbm>>
      tpu.wait_dma2 semaphore(%run_scoped3A : memref<!tpu.dma_semaphore, #tpu.memory_space<semaphore_mem>>) src(%arg12 : memref<32x1024xf32, #tpu.memory_space<vmem>>) dst(%dma_wait3A_146 : memref<32x1024xf32, #tpu.memory_space<hbm>>)
      tpu.yield
    }) : () -> ()
    %add3A_117 = arith.constant 32 : i32
    %add3A_118 = arith.addi %mul3A_2, %add3A_117 : i32
    %dma_start3A_119 = arith.constant 32 : i32
    %dma_start3A_120 = tpu.memref_slice %arg8[%dma_start3A_119] : memref<64xi32, #tpu.memory_space<vmem>> -> memref<32xi32, #tpu.memory_space<vmem>>
    %dma_start3A_121 = arith.constant 0 : i32
    %dma_start3A_122 = arith.constant 0 : i32
    %dma_start3A_123 = tpu.memref_slice %arg2[%dma_start3A_121, %dma_start3A_122] : memref<8192x1024xf32, #tpu.memory_space<hbm>> -> memref<8192x1024xf32, #tpu.memory_space<hbm>>
    tpu.enqueue_indirect_dma source(%dma_start3A_123 : memref<8192x1024xf32, #tpu.memory_space<hbm>>) target(%arg11 : memref<32x1024xf32, #tpu.memory_space<vmem>>) offsets(%dma_start3A_120 : memref<32xi32, #tpu.memory_space<vmem>>) semaphore(%arg14 : memref<!tpu.dma_semaphore, #tpu.memory_space<semaphore_mem>>)
    %dma_start3A_124 = arith.constant 32 : i32
    %dma_start3A_125 = tpu.memref_slice %arg9[%dma_start3A_124] : memref<64xi32, #tpu.memory_space<vmem>> -> memref<32xi32, #tpu.memory_space<vmem>>
    %dma_start3A_126 = arith.constant 0 : i32
    %dma_start3A_127 = arith.constant 0 : i32
    %dma_start3A_128 = tpu.memref_slice %arg2[%dma_start3A_126, %dma_start3A_127] : memref<8192x1024xf32, #tpu.memory_space<hbm>> -> memref<8192x1024xf32, #tpu.memory_space<hbm>>
    tpu.enqueue_indirect_dma source(%dma_start3A_128 : memref<8192x1024xf32, #tpu.memory_space<hbm>>) target(%arg12 : memref<32x1024xf32, #tpu.memory_space<vmem>>) offsets(%dma_start3A_125 : memref<32xi32, #tpu.memory_space<vmem>>) semaphore(%arg14 : memref<!tpu.dma_semaphore, #tpu.memory_space<semaphore_mem>>)
    %dma_wait3A_129 = arith.constant 32 : i32
    %dma_wait3A_130 = tpu.memref_slice %arg8[%dma_wait3A_129] : memref<64xi32, #tpu.memory_space<vmem>> -> memref<32xi32, #tpu.memory_space<vmem>>
    %dma_wait3A_131 = arith.constant 0 : i32
    %dma_wait3A_132 = arith.constant 0 : i32
    %dma_wait3A_133 = tpu.memref_slice %arg2[%dma_wait3A_131, %dma_wait3A_132] : memref<8192x1024xf32, #tpu.memory_space<hbm>> -> memref<8192x1024xf32, #tpu.memory_space<hbm>>
    tpu.wait_indirect_dma semaphore(%arg14 : memref<!tpu.dma_semaphore, #tpu.memory_space<semaphore_mem>>) src(%dma_wait3A_133 : memref<8192x1024xf32, #tpu.memory_space<hbm>>) dst(%arg11 : memref<32x1024xf32, #tpu.memory_space<vmem>>)
    %dma_wait3A_134 = arith.constant 32 : i32
    %dma_wait3A_135 = tpu.memref_slice %arg9[%dma_wait3A_134] : memref<64xi32, #tpu.memory_space<vmem>> -> memref<32xi32, #tpu.memory_space<vmem>>
    %dma_wait3A_136 = arith.constant 0 : i32
    %dma_wait3A_137 = arith.constant 0 : i32
    %dma_wait3A_138 = tpu.memref_slice %arg2[%dma_wait3A_136, %dma_wait3A_137] : memref<8192x1024xf32, #tpu.memory_space<hbm>> -> memref<8192x1024xf32, #tpu.memory_space<hbm>>
    tpu.wait_indirect_dma semaphore(%arg14 : memref<!tpu.dma_semaphore, #tpu.memory_space<semaphore_mem>>) src(%dma_wait3A_138 : memref<8192x1024xf32, #tpu.memory_space<hbm>>) dst(%arg12 : memref<32x1024xf32, #tpu.memory_space<vmem>>)
    "tpu.region"() ({
      %run_scoped3A = tpu.sem_alloc : memref<!tpu.dma_semaphore, #tpu.memory_space<semaphore_mem>>
      %dma_start3A_139 = arith.constant 0 : i32
      %dma_start3A_140 = tpu.memref_slice %arg7[%add3A_118, %dma_start3A_139] : memref<2048x2112xf32, #tpu.memory_space<hbm>> -> memref<32x1024xf32, #tpu.memory_space<hbm>>
      %dma_start3A_141 = arith.constant 0 : i32
      %dma_start3A_142 = tpu.memref_slice %arg7[%add3A_118, %dma_start3A_141] : memref<2048x2112xf32, #tpu.memory_space<hbm>> -> memref<32x1024xf32, #tpu.memory_space<hbm>>
      tpu.enqueue_dma source(%arg11 : memref<32x1024xf32, #tpu.memory_space<vmem>>) target(%dma_start3A_142 : memref<32x1024xf32, #tpu.memory_space<hbm>>) target_semaphore(%run_scoped3A : memref<!tpu.dma_semaphore, #tpu.memory_space<semaphore_mem>>)
      %dma_wait3A_143 = arith.constant 0 : i32
      %dma_wait3A_144 = tpu.memref_slice %arg7[%add3A_118, %dma_wait3A_143] : memref<2048x2112xf32, #tpu.memory_space<hbm>> -> memref<32x1024xf32, #tpu.memory_space<hbm>>
      %dma_wait3A_145 = arith.constant 0 : i32
      %dma_wait3A_146 = tpu.memref_slice %arg7[%add3A_118, %dma_wait3A_145] : memref<2048x2112xf32, #tpu.memory_space<hbm>> -> memref<32x1024xf32, #tpu.memory_space<hbm>>
      tpu.wait_dma2 semaphore(%run_scoped3A : memref<!tpu.dma_semaphore, #tpu.memory_space<semaphore_mem>>) src(%arg11 : memref<32x1024xf32, #tpu.memory_space<vmem>>) dst(%dma_wait3A_146 : memref<32x1024xf32, #tpu.memory_space<hbm>>)
      tpu.yield
    }) : () -> ()
    "tpu.region"() ({
      %run_scoped3A = tpu.sem_alloc : memref<!tpu.dma_semaphore, #tpu.memory_space<semaphore_mem>>
      %dma_start3A_139 = arith.constant 1024 : i32
      %dma_start3A_140 = tpu.memref_slice %arg7[%add3A_118, %dma_start3A_139] : memref<2048x2112xf32, #tpu.memory_space<hbm>> -> memref<32x1024xf32, #tpu.memory_space<hbm>>
      %dma_start3A_141 = arith.constant 1024 : i32
      %dma_start3A_142 = tpu.memref_slice %arg7[%add3A_118, %dma_start3A_141] : memref<2048x2112xf32, #tpu.memory_space<hbm>> -> memref<32x1024xf32, #tpu.memory_space<hbm>>
      tpu.enqueue_dma source(%arg12 : memref<32x1024xf32, #tpu.memory_space<vmem>>) target(%dma_start3A_142 : memref<32x1024xf32, #tpu.memory_space<hbm>>) target_semaphore(%run_scoped3A : memref<!tpu.dma_semaphore, #tpu.memory_space<semaphore_mem>>)
      %dma_wait3A_143 = arith.constant 1024 : i32
      %dma_wait3A_144 = tpu.memref_slice %arg7[%add3A_118, %dma_wait3A_143] : memref<2048x2112xf32, #tpu.memory_space<hbm>> -> memref<32x1024xf32, #tpu.memory_space<hbm>>
      %dma_wait3A_145 = arith.constant 1024 : i32
      %dma_wait3A_146 = tpu.memref_slice %arg7[%add3A_118, %dma_wait3A_145] : memref<2048x2112xf32, #tpu.memory_space<hbm>> -> memref<32x1024xf32, #tpu.memory_space<hbm>>
      tpu.wait_dma2 semaphore(%run_scoped3A : memref<!tpu.dma_semaphore, #tpu.memory_space<semaphore_mem>>) src(%arg12 : memref<32x1024xf32, #tpu.memory_space<vmem>>) dst(%dma_wait3A_146 : memref<32x1024xf32, #tpu.memory_space<hbm>>)
      tpu.yield
    }) : () -> ()
    return
  }
}

</mosaic_0001>

<sc_bundles>
// kernel: kernel.3.cloned.1.call-start
scs
__scs_entry_jumppad:
0x0: {  	(pc) =	sbr.rel $0x88, $3  }
0x1: {  	(tag) =	ssettag $0x0;
	lr =	simm.s32 $0x1  }
0x2: {  	[smem:$0x3F9D] =	sst lr;
	_ =	strace $0xD0000000  }
0x3: {  	_ = 	snop  }
0x4: {  	_ = 	snop  }
0x5: {  	_ = 	snop  }
0x6: {  	_ = 	snop  }
0x7: {  	_ = 	snop  }
__scs_overlays_trampoline_lowered:
0x8: {  	[smem:$0x3FAC] =	sst s0  }
0x9: {  	[smem:$0x3FAD] =	sst s1  }
0xa: {  	[smem:$0x3FAE] =	sst s2  }
0xb: {  	[smem:$0x3FAF] =	sst s3  }
0xc: {  	[smem:$0x3FB0] =	sst s4  }
0xd: {  	[smem:$0x3FB1] =	sst s5  }
0xe: {  	[smem:$0x3FB2] =	sst s6  }
0xf: {  	[smem:$0x3FB3] =	sst s7  }
0x10: {  	[smem:$0x3FB4] =	sst s8  }
0x11: {  	[smem:$0x3FB5] =	sst s9;
	s0 =	simm.s32 @!p0 $0x0  }
0x12: {  	s1 =	sld [smem:$0x3F9B];
	s0 =	simm.s32 @p0 $0x1  }
0x13: {  	[smem:$0x3FB6] =	sst s0;
	s0 =	simm.s32 @!p1 $0x0  }
0x14: {  	s2 =	sld [smem:$0x3F9A];
	s0 =	simm.s32 @p1 $0x1  }
0x15: {  	[smem:$0x3FB7] =	sst s0;
	s0 =	simm.s32 @!p2 $0x0  }
0x16: {  	s3 =	sld [smem:$0x3FDB];
	s0 =	simm.s32 @p2 $0x1  }
0x17: {  	s4 =	simm.s32 $0x1BF5;
	[smem:$0x3FB9] =	sst s0  }
0x18: {  	s0 =	sld [smem:$0x3F9C];
	_ =	swait.ge [sflag:s4], $0x0  }
0x19: {  	s7 =	sld [smem:$0x3F9D]  }
0x1a: {  	s8 =	sadd.s32 $0xFFFFE003, lr  }
0x1b: {  	s9 =	sadd.s32 $0xFFFFFEF7, lr;
	s5 =	simm.s32 $0xFFFFFFFF;
	p2 =	slt.u32 s8, $0xFFFFF086  }
0x1c: {  	p1 =	slt.u32 s9, $0xF7A;
	s5 =	simm.s32 @!p2 $0x0  }
0x1d: {  	s5 =	simm.s32 @p1 $0x1;
	p0 =	seq.s32 s7, s2  }
0x1e: {  	s7 =	smul.u32 @!p0 $0xF7A, s2;
	p2 =	seq.s32 @!p0 s5, $0x0  }
0x1f: {  	s9 =	smul.u32 $0xF7A, s1;
	s8 =	simm.s32 @!p0 $0x1BF5;
	p2 =	por !p2, p0  }
0x20: {  	[sflag:s8] =	ssyncset.s32 @!p0 $0xFFFFF086;
	s6 =	sadd.s32 @!p0 s3, s7;
	s7 =	simm.s32 @!p0 $0x108  }
0x21: {  	s3 =	sadd.s32 s3, s9;
	s6 =	sadd.s32 @!p0 $0x88, s6;
	s7 =	simm.s32 @p2 $0x1082  }
0x22: {  	[simem:s7], [sflag:s8] =	dma.local @!p0 [hbm:s6], $0xF7A  }
0x23: {  	s9 =	sor.u32 $0xD0000000, s2;
	s6 =	simm.s32 $0x108;
	_ =	swait.ge @!p0 [sflag:s8], $0x0  }
0x24: {  	s3 =	sadd.s32 $0x88, s3;
	s6 =	simm.s32 @!p1 $0x1082;
	[sflag:s4] =	ssyncset.s32 $0xFFFFF086  }
0x25: {  	[simem:s6], [sflag:s4] =	dma.local [hbm:s3], $0xF7A  }
0x26: {  	[smem:$0x3F9D] =	sst s1;
	(tag) =	ssettag s2;
	_ =	strace s9  }
0x27: {  	s1 =	sld [smem:$0x3FAD]  }
0x28: {  	s2 =	sld [smem:$0x3FAE]  }
0x29: {  	s4 =	sld [smem:$0x3FB0]  }
0x2a: {  	p0 =	seq.s32 s5, $0x0;
	s5 =	sld [smem:$0x3FB1]  }
0x2b: {  	s6 =	sld [smem:$0x3FB2]  }
0x2c: {  	s7 =	sld [smem:$0x3FB3]  }
0x2d: {  	s3 =	simm.s32 $0x108;
	s8 =	sld [smem:$0x3FB4]  }
0x2e: {  	s3 =	simm.s32 @!p0 $0x1082;
	s9 =	sld [smem:$0x3FB5]  }
0x2f: {  	lr =	sadd.s32 s0, s3;
	s0 =	sld [smem:$0x3FAC]  }
0x30: {  	s3 =	sld [smem:$0x3FAF]  }
0x31: {  	[smem:$0x3FB8] =	sst s10  }
0x32: {  	s10 =	sld [smem:$0x3FB6];
	_ =	sdelay $0x3  }
0x33: {  	p0 =	seq.s32 s10, $0x1;
	s10 =	sld [smem:$0x3FB8];
	_ =	sdelay $0x3  }
0x34: {  	[smem:$0x3FB8] =	sst s10  }
0x35: {  	s10 =	sld [smem:$0x3FB7];
	_ =	sdelay $0x3  }
0x36: {  	p1 =	seq.s32 s10, $0x1;
	s10 =	sld [smem:$0x3FB8];
	_ =	sdelay $0x3  }
0x37: {  	[smem:$0x3FB8] =	sst s10  }
0x38: {  	s10 =	sld [smem:$0x3FB9]  }
0x39: {  	_ = 	snop;
	(pc) =	sbr.ind lr, $3  }
0x3a: {  	_ = 	snop  }
0x3b: {  	_ = 	snop  }
0x3c: {  	p2 =	seq.s32 s10, $0x1;
	s10 =	sld [smem:$0x3FB8]  }
0x3d: {  	_ =	shalt  }
0x3e: {  	_ =	shalt  }
0x3f: {  	_ =	shalt  }
0x40: {  	_ =	shalt  }
0x41: {  	_ =	shalt  }
0x42: {  	_ =	shalt  }
0x43: {  	_ =	shalt  }
0x44: {  	_ =	shalt  }
0x45: {  	_ =	shalt  }
0x46: {  	_ =	shalt  }
0x47: {  	_ =	shalt  }
0x48: {  	_ =	shalt  }
0x49: {  	_ =	shalt  }
0x4a: {  	_ =	shalt  }
0x4b: {  	_ =	shalt  }
0x4c: {  	_ =	shalt  }
0x4d: {  	_ =	shalt  }
0x4e: {  	_ =	shalt  }
0x4f: {  	_ =	shalt  }
0x50: {  	_ =	shalt  }
0x51: {  	_ =	shalt  }
0x52: {  	_ =	shalt  }
0x53: {  	_ =	shalt  }
0x54: {  	_ =	shalt  }
0x55: {  	_ =	shalt  }
0x56: {  	_ =	shalt  }
0x57: {  	_ =	shalt  }
0x58: {  	_ =	shalt  }
0x59: {  	_ =	shalt  }
0x5a: {  	_ =	shalt  }
0x5b: {  	_ =	shalt  }
0x5c: {  	_ =	shalt  }
0x5d: {  	_ =	shalt  }
0x5e: {  	_ =	shalt  }
0x5f: {  	_ =	shalt  }
0x60: {  	_ =	shalt  }
0x61: {  	_ =	shalt  }
0x62: {  	_ =	shalt  }
0x63: {  	_ =	shalt  }
0x64: {  	_ =	shalt  }
0x65: {  	_ =	shalt  }
0x66: {  	_ =	shalt  }
0x67: {  	_ =	shalt  }
0x68: {  	_ =	shalt  }
0x69: {  	_ =	shalt  }
0x6a: {  	_ =	shalt  }
0x6b: {  	_ =	shalt  }
0x6c: {  	_ =	shalt  }
0x6d: {  	_ =	shalt  }
0x6e: {  	_ =	shalt  }
0x6f: {  	_ =	shalt  }
0x70: {  	_ =	shalt  }
0x71: {  	_ =	shalt  }
0x72: {  	_ =	shalt  }
0x73: {  	_ =	shalt  }
0x74: {  	_ =	shalt  }
0x75: {  	_ =	shalt  }
0x76: {  	_ =	shalt  }
0x77: {  	_ =	shalt  }
0x78: {  	_ =	shalt  }
0x79: {  	_ =	shalt  }
0x7a: {  	_ =	shalt  }
0x7b: {  	_ =	shalt  }
0x7c: {  	_ =	shalt  }
0x7d: {  	_ =	shalt  }
0x7e: {  	_ =	shalt  }
0x7f: {  	_ =	shalt  }
0x80: {  	_ =	shalt  }
0x81: {  	_ =	shalt  }
0x82: {  	_ =	shalt  }
0x83: {  	_ =	shalt  }
0x84: {  	_ =	shalt  }
0x85: {  	_ =	shalt  }
0x86: {  	_ =	shalt  }
0x87: {  	_ =	shalt  }
.Lfunc_end0:
.L_simem_size_0:
called_computation.1_lowered:
.L_overlay_start_0:
0x88: {  	s2 =	sld [smem:$0x3FD9]  }
0x89: {  	s3 =	sld [smem:$0x3FFE];
	_ =	sdelay $0x1  }
0x8a: {  	s1 =	srdreg.scid  }
0x8b: {  	s0 =	sand.u32 $0x1, s1  }
0x8c: {  	s17 =	sshll.u32 s0, $0xA;
	s2 =	sadd.s32 s3, s2  }
0x8d: {  	s2 =	sadd.s32 s2, s17  }
0x8e: {  	[smem:$0x3FC4] =	sst s2  }
0x8f: {  	_ = 	snop  }
0x90: {  	s2 =	sld [smem:$0x3FD0];
	(tm) =	ssettm $0x1  }
0x91: {  	s18 =	sld [smem:$0x3FFB];
	_ =	sdelay $0x3  }
0x92: {  	_ =	strace s18  }
0x93: {  	s3 =	sld [smem:$0x3FFC];
	_ =	sdelay $0x3  }
0x94: {  	_ =	strace s3  }
0x95: {  	s3 =	sld [smem:$0x3FFD];
	_ =	sdelay $0x3  }
0x96: {  	_ =	strace s3  }
0x97: {  	_ =	strace $0x8FFFFFFF  }
0x98: {  	s19 =	sld [smem:$0x3FDB];
	_ =	sdelay $0x1  }
0x99: {  	s4 =	simm.s32 $_scs_section_size  }
0x9a: {  	s5 =	simm.s32 $_size__tile_overlayer_lowered;
	s6 =	simm.s32 $_tile_overlayer_lowered  }
0x9b: {  	s22 =	simm.s32 $0x1BFF;
	s21 =	sshll.u32 s6, $0x1;
	s3 =	sadd.s32 s4, s19  }
0x9c: {  	s7 =	simm.s32 $0x0;
	s20 =	sshll.u32 s5, $0x1;
	s5 =	sadd.s32 s21, s3  }
0x9d: {  	[timem:s7], [sflag:s22] =	dma.local [hbm:s5], s20  }
0x9e: {  	_ =	swait.ge [sflag:s22], s20  }
0x9f: {  	s4 =	ssub.s32 $0x0, s20;
	[sflag:s22] =	ssyncset.done $0x0  }
0xa0: {  	[sflag:s22] =	ssyncadd.s32 s4;
	_ =	sdelay $0x1  }
0xa1: {  	s23 =	simm.s32 $0x1B8B  }
0xa2: {  	_ =	swait.ge [sflag:s23], $0x1  }
0xa3: {  	[sflag:s23] =	ssyncset.done $0x0  }
0xa4: {  	s25 =	simm.s32 $0x1B8E;
	s24 =	sld [smem:$0x3FFE];
	[sflag:s23] =	ssyncadd.s32 $0xFFFFFFFF  }
0xa5: {  	s26 =	simm.s32 $execute0_lowered;
	[smem:$0x3FD2] =	sst s25  }
0xa6: {  	s5 =	sshll.u32 s26, $0x1;
	_ =	strace $0x80000049;
	[dreg:$0x1] =	wrdreg $0xFFFFFFFF  }
0xa7: {  	s28 =	simm.s32 $_size_execute0_lowered;
	s3 =	sadd.s32 s3, s5;
	[dreg:$0x0] =	wrdreg $0x0  }
0xa8: {  	s5 =	sshll.u32 s28, $0x1;
	[dreg:$0x2] =	wrdreg s3  }
0xa9: {  	[dreg:$0x3] =	wrdreg s5  }
0xaa: {  	[dreg:$0x4] =	wrdreg $0xC0  }
0xab: {  	_ =	task [dreg:s7], $0x5FFFF  }
0xac: {  	[dreg:$0x1] =	wrdreg $0xFFFFFFFF  }
0xad: {  	[dreg:$0x0] =	wrdreg $0x60  }
0xae: {  	[dreg:$0x2] =	wrdreg s24  }
0xaf: {  	[dreg:$0x3] =	wrdreg s2  }
0xb0: {  	[dreg:$0x4] =	wrdreg $0x9  }
0xb1: {  	_ =	task.clear_ibuf [dreg:s7], $0x5FFFF;
	_ =	strace $0x90000049  }
0xb2: {  	s29 =	simm.s32 $0x9;
	_ =	strace $0x8000004B  }
0xb3: {  	_ =	swait.ge [sflag:s29], $0x1  }
0xb4: {  	[sflag:s29] =	ssyncadd.s32 $0xFFFFFFFF  }
0xb5: {  	_ =	strace $0x9000004B  }
0xb6: {  	_ =	sfence  }
0xb7: {  	s30 =	sld [smem:$0x0];
	_ =	sdelay $0x2  }
0xb8: {  	s31 =	sshll.u32 s1, $0xD;
	s1 =	sshrl.u32 s1, $0x2  }
0xb9: {  	s3 =	sand.u32 $0x4000, s31;
	s1 =	sadd.s32 s1, s30  }
0xba: {  	s0 =	sor.u32 s3, s0;
	s1 =	sshll.u32 s1, $0x11  }
0xbb: {  	s0 =	sor.u32 s1, s0  }
0xbc: {  	s0 =	sadd.s32 $0x8F2B, s0  }
0xbd: {  	[sflag:s0] =	ssyncadd.remote.s32 $0x1  }
0xbe: {  	_ =	sfence.sel $0xFFFF  }
0xbf: {  	[dreg:$0x0] =	wrdreg $0xFFFFFFFF;
	(pc) =	sbr.abs _section_cstart, $3  }
0xc0: {  	[dreg:$0x1] =	wrdreg $0xFFFFFFFF  }
0xc1: {  	_ =	task.clear_ibuf [dreg:s7], $0x2FFFF;
	_ =	strace $0x9FFFFFFF  }
0xc2: {  	(tm) =	ssettm $0x7FFFFFFF  }
0xc3: {  	_ =	shalt  }
tec
execute0_lowered:
.L_overlay_start_1:
0x0: {  	(tag) =	ssettag $0x1  }
0x1: {  	s4 =	rddreg [dreg:$0x0]  }
0x2: {  	s6 =	rddreg [dreg:$0x1]  }
0x3: {  	s0 =	rddreg [dreg:$0x2];
	s3 =	srdreg.scid  }
0x4: {  	s2 =	simm.s32 $0x0;
	s1 =	stileid.u32;
	s14 =	simm.s32 $0x2  }
0x5: {  	s15 =	simm.s32 $0x40;
	s16 =	simm.s32 $0x80;
	s17 =	simm.s32 $0x1  }
0x6: {  	s18 =	simm.s32 $0x20;
	s19 =	simm.s32 $0xC0;
	s20 =	simm.s32 $0x80C0  }
0x7: {  	s21 =	simm.s32 $0x400;
	s23 =	simm.s32 $0x60;
	s24 =	simm.s32 $0x0  }
0x8: {  	s5 =	sand.u32 $0x1, s3;
	[smem:$0x7FF] =	sst s2;
	s7 =	sshll.u32 s1, $0x7  }
0x9: {  	s3 =	sadd.s32 $0x1000, s4;
	s31 =	sshll.u32 s1, $0x9;
	s8 =	sshll.u32 s5, $0x6  }
0xa: {  	s5 =	ssub.s32 $0x2, s5;
	s22 =	sand.u32 $0x1800, s31;
	s7 =	sor.u32 s8, s7  }
0xb: {  	s9 =	sshrl.u32 s5, $0x1;
	s8 =	sshrl.u32 s7, $0x3;
	s7 =	smul.u32 $0x840, s7  }
0xc: {  	_ =	strace $0x8000004A;
	v0 =	vmov s22;
	s22 =	simm.s32 $0x840;
	s13 =	ssub.s32 s5, s9  }
0xd: {  	s8 =	sadd.s32 s8, s4;
	s4 =	sadd.s32 $0x101200, s4;
	s7 =	sshrl.u32 s7, $0x3  }
0xe: {  	s13 =	smax.u32 s13, $0x1;
	s5 =	sadd.s32 $0x101600, s8;
	s6 =	sadd.s32 s6, s7  }
0xf: {  	s7 =	sadd.s32 $0x101400, s8;
	s8 =	sadd.s32 $0x101000, s8;
	s9 =	sadd.s32 $0x100, s6  }
0x10: {  	s10 =	sadd.s32 $0x80, s6;
	s11 =	sadd.s32 $0x2100, s6;
	s12 =	sadd.s32 $0x2180, s6  }
.LBB2_1:
0x11: {  	[tilespmem:s2], [sflag:$0x2] =	stream.linear.gather [hbm4b:s5+s2], $0x40, $0x38;
	[tilespmem:$0x120C0] =	vst v63  }
0x12: {  	_ =	swait.ge [sflag:s14], $0x40  }
0x13: {  	[sflag:s14] =	ssyncset.done $0x0  }
0x14: {  	[sflag:s14] =	ssyncadd.s32 $0xFFFFFFC0  }
0x15: {  	[tilespmem:s15], [sflag:$0x2] =	stream.linear.gather [hbm4b:s7+s2], $0x40, $0x38;
	[tilespmem:$0x120C0] =	vst v63  }
0x16: {  	_ =	swait.ge [sflag:s14], $0x40  }
0x17: {  	[sflag:s14] =	ssyncset.done $0x0  }
0x18: {  	[sflag:s14] =	ssyncadd.s32 $0xFFFFFFC0  }
0x19: {  	[tilespmem:s16], [sflag:$0x2] =	stream.linear.gather [hbm4b:s8+s2], $0x40, $0x38;
	[tilespmem:$0x120C0] =	vst v63  }
0x1a: {  	_ =	swait.ge [sflag:s14], $0x40  }
0x1b: {  	[sflag:s14] =	ssyncset.done $0x0  }
0x1c: {  	s25 =	simm.s32 $0x100C0;
	[sflag:s14] =	ssyncadd.s32 $0xFFFFFFC0  }
0x1d: {  	[tilespmem:s25], [sflag:$0x1] =	stream.indirect.gather [hbm4b:s4+s15], $0x80, s16, s15, $0xb8;
	[tilespmem:$0x120C0] =	vst v63  }
0x1e: {  	v1 =	vld [tilespmem:$0x0]  }
0x1f: {  	v2 =	vld [tilespmem:$0x40]  }
0x20: {  	v3 =	vld [tilespmem:$0x10]  }
0x21: {  	v4 =	vld [tilespmem:$0x50]  }
0x22: {  	v5 =	vld [tilespmem:$0x20]  }
0x23: {  	v6 =	vld [tilespmem:$0x60];
	v1 =	vadd.s32 v0, v1  }
0x24: {  	[tilespmem:$0x0] =	vst v1;
	v1 =	vadd.s32 v0, v2;
	v2 =	vld [tilespmem:$0x30]  }
0x25: {  	[tilespmem:$0x40] =	vst v1;
	v1 =	vadd.s32 v0, v3;
	v3 =	vld [tilespmem:$0x70]  }
0x26: {  	[tilespmem:$0x10] =	vst v1;
	v1 =	vadd.s32 v0, v4  }
0x27: {  	[tilespmem:$0x50] =	vst v1;
	v1 =	vadd.s32 v0, v5  }
0x28: {  	[tilespmem:$0x20] =	vst v1;
	v1 =	vadd.s32 v0, v6  }
0x29: {  	[tilespmem:$0x60] =	vst v1;
	v1 =	vadd.s32 v0, v2  }
0x2a: {  	[tilespmem:$0x30] =	vst v1;
	v1 =	vadd.s32 v0, v3  }
0x2b: {  	[tilespmem:$0x70] =	vst v1  }
0x2c: {  	_ =	swait.ge [sflag:s17], $0x2000  }
0x2d: {  	s26 =	simm.s32 $0x108;
	[sflag:s17] =	ssyncset.done $0x0  }
0x2e: {  	s29 =	sadd.s32 $0x0, s9;
	s28 =	simm.s32 $0x10140;
	[sflag:s17] =	ssyncadd.s32 $0xFFFFE000  }
.LBB2_2:
0x2f: {  	[hbm4b:s29+s2] =	stream.linear.scatter [tilespmem:s25], [sflag:$0x2], $0x40, $0x38;
	[tilespmem:$0x120C0] =	vst v63  }
0x30: {  	s29 =	smov.u32 s26;
	s25 =	smov.u32 s28;
	p0 =	sne.s32 s26, $0x40F8  }
.Ltmp0:
0x31: {  	s26 =	sadd.s32 $0x108, s26;
	(pc) =	sbr.rel @p0 .LBB2_2-.Ltmp0, $2  }
0x32: {  	_ =	sdelay $0x2  }
0x33: {  	s28 =	sadd.s32 $0x80, s28;
	s29 =	sadd.s32 s29, s9  }
0x34: {  	[hbm4b:s29+s2] =	stream.linear.scatter [tilespmem:s25], [sflag:$0x2], $0x40, $0x38;
	[tilespmem:$0x120C0] =	vst v63  }
0x35: {  	_ =	swait.ge [sflag:s14], $0x1000  }
0x36: {  	[sflag:s14] =	ssyncset.done $0x0  }
0x37: {  	[sflag:s14] =	ssyncadd.s32 $0xFFFFF000  }
0x38: {  	[tilespmem:s19], [sflag:$0x1] =	stream.indirect.gather [hbm4b:s3+s18], $0x400, s2, s18, $0xb8;
	[tilespmem:$0x120C0] =	vst v63  }
0x39: {  	_ = 	snop  }
0x3a: {  	[tilespmem:s20], [sflag:$0x1] =	stream.indirect.gather [hbm4b:s3+s18], $0x400, s15, s18, $0xb8;
	[tilespmem:$0x120C0] =	vst v63  }
0x3b: {  	_ =	swait.ge [sflag:s17], $0x8000  }
0x3c: {  	[sflag:s17] =	ssyncset.done $0x0  }
0x3d: {  	[sflag:s17] =	ssyncadd.s32 $0xFFFF8000  }
0x3e: {  	_ =	swait.ge [sflag:s17], $0x8000  }
0x3f: {  	[sflag:s17] =	ssyncset.done $0x0  }
0x40: {  	[sflag:s17] =	ssyncadd.s32 $0xFFFF8000  }
0x41: {  	[hbm4b:s6+s21] =	stream.strided.scatter [tilespmem:s19], [sflag:$0x2], $0x8000, s22, s21, $0x38;
	[tilespmem:$0x120C0] =	vst v63  }
0x42: {  	_ =	swait.ge [sflag:s14], $0x8000  }
0x43: {  	[sflag:s14] =	ssyncset.done $0x0  }
0x44: {  	[sflag:s14] =	ssyncadd.s32 $0xFFFF8000  }
0x45: {  	[hbm4b:s10+s21] =	stream.strided.scatter [tilespmem:s20], [sflag:$0x2], $0x8000, s22, s21, $0x38;
	[tilespmem:$0x120C0] =	vst v63  }
0x46: {  	_ =	swait.ge [sflag:s14], $0x8000  }
0x47: {  	[sflag:s14] =	ssyncset.done $0x0  }
0x48: {  	[sflag:s14] =	ssyncadd.s32 $0xFFFF8000  }
0x49: {  	[tilespmem:s19], [sflag:$0x1] =	stream.indirect.gather [hbm4b:s3+s18], $0x400, s18, s18, $0xb8;
	[tilespmem:$0x120C0] =	vst v63  }
0x4a: {  	_ = 	snop  }
0x4b: {  	[tilespmem:s20], [sflag:$0x1] =	stream.indirect.gather [hbm4b:s3+s18], $0x400, s23, s18, $0xb8;
	[tilespmem:$0x120C0] =	vst v63  }
0x4c: {  	_ =	swait.ge [sflag:s17], $0x8000  }
0x4d: {  	[sflag:s17] =	ssyncset.done $0x0  }
0x4e: {  	[sflag:s17] =	ssyncadd.s32 $0xFFFF8000  }
0x4f: {  	_ =	swait.ge [sflag:s17], $0x8000  }
0x50: {  	[sflag:s17] =	ssyncset.done $0x0  }
0x51: {  	[sflag:s17] =	ssyncadd.s32 $0xFFFF8000  }
0x52: {  	[hbm4b:s11+s21] =	stream.strided.scatter [tilespmem:s19], [sflag:$0x2], $0x8000, s22, s21, $0x38;
	[tilespmem:$0x120C0] =	vst v63  }
0x53: {  	s24 =	sadd.s32 $0x1, s24;
	_ =	swait.ge [sflag:s14], $0x8000  }
0x54: {  	p0 =	sne.s32 s24, s13;
	[sflag:s14] =	ssyncset.done $0x0  }
.Ltmp1:
0x55: {  	[sflag:s14] =	ssyncadd.s32 $0xFFFF8000;
	(pc) =	sbr.rel @p0 .LBB2_1-.Ltmp1, $4  }
0x56: {  	[hbm4b:s12+s21] =	stream.strided.scatter [tilespmem:s20], [sflag:$0x2], $0x8000, s22, s21, $0x38;
	[tilespmem:$0x120C0] =	vst v63  }
0x57: {  	_ =	swait.ge [sflag:s14], $0x8000  }
0x58: {  	[sflag:s14] =	ssyncset.done $0x0  }
0x59: {  	[sflag:s14] =	ssyncadd.s32 $0xFFFF8000  }
0x5a: {  	_ =	sfence.sel $0x180000  }
0x5b: {  	[bflag:$0x0] =	sbarrier.arrive $0xFFFF  }
0x5c: {  	p0 =	sne.s32 s1, $0x0;
	_ =	strace $0x9000004A  }
0x5d: {  	s0 =	sadd.s32 @!p0 $0x100000, s0;
	[bflag:$0x2] =	sbarrier.arrive $0xFFFF  }
0x5e: {  	[sflag:s0] =	ssyncadd.tile.s32 @!p0 $0x1;
	_ =	shalt  }
.Lfunc_end2:
_tile_overlayer_lowered:
.L_overlay_start_2:
0x5f: {  	(tag) =	ssettag $0x2  }
0x60: {  	s0 =	rddreg [dreg:$0x0];
	s2 =	stileid.u32  }
0x61: {  	s1 =	rddreg [dreg:$0x1];
	p0 =	sne.s32 s2, $0x0  }
0x62: {  	s3 =	rddreg [dreg:$0x2];
	[bflag:$0x3] =	sbarrier.arrive $0xFFFF;
	s2 =	simm.s32 @!p0 $0x1C02  }
0x63: {  	[timem:s3], [sflag:s2] =	dma.local @!p0 [hbm:s0], s1  }
0x64: {  	s0 =	simm.s32 @!p0 $0x2  }
0x65: {  	_ =	swait.ge @!p0 [sflag:s0], s1  }
0x66: {  	s1 =	ssub.s32 @!p0 $0x0, s1;
	[sflag:s0] =	ssyncset.done @!p0 $0x0  }
0x67: {  	[sflag:s0] =	ssyncadd.s32 @!p0 s1  }
0x68: {  	[bflag:$0x3] =	sbarrier.arrive $0xFFFF  }
0x69: {  	_ =	shalt  }

// kernel: sparse-core-data-format-call.cloned.1.call-start
scs
called_computation_lowered:
.L_overlay_start_0:
0x0: {  	s2 =	sld [smem:$0x3FD9]  }
0x1: {  	s3 =	sld [smem:$0x3FFE];
	_ =	sdelay $0x1  }
0x2: {  	s1 =	srdreg.scid  }
0x3: {  	s0 =	sand.u32 $0x1, s1  }
0x4: {  	s18 =	sshll.u32 s0, $0xA;
	s2 =	sadd.s32 s3, s2  }
0x5: {  	s2 =	sadd.s32 s2, s18  }
0x6: {  	[smem:$0x3FC4] =	sst s2  }
0x7: {  	_ = 	snop  }
0x8: {  	s2 =	sld [smem:$0x3FC9];
	(tm) =	ssettm $0x1  }
0x9: {  	s19 =	sld [smem:$0x3FFB];
	_ =	sdelay $0x3  }
0xa: {  	_ =	strace s19  }
0xb: {  	s3 =	sld [smem:$0x3FFC];
	_ =	sdelay $0x3  }
0xc: {  	_ =	strace s3  }
0xd: {  	s3 =	sld [smem:$0x3FFD];
	_ =	sdelay $0x3  }
0xe: {  	_ =	strace s3  }
0xf: {  	_ =	strace $0x8FFFFFFF  }
0x10: {  	s20 =	sld [smem:$0x3FDB];
	_ =	sdelay $0x1  }
0x11: {  	s4 =	simm.s32 $_scs_section_size  }
0x12: {  	s5 =	simm.s32 $_size__tile_overlayer_lowered;
	s6 =	simm.s32 $_tile_overlayer_lowered  }
0x13: {  	s23 =	simm.s32 $0x1BFF;
	s22 =	sshll.u32 s6, $0x1;
	s3 =	sadd.s32 s4, s20  }
0x14: {  	s7 =	simm.s32 $0x0;
	s21 =	sshll.u32 s5, $0x1;
	s5 =	sadd.s32 s22, s3  }
0x15: {  	[timem:s7], [sflag:s23] =	dma.local [hbm:s5], s21  }
0x16: {  	_ =	swait.ge [sflag:s23], s21  }
0x17: {  	s4 =	ssub.s32 $0x0, s21;
	[sflag:s23] =	ssyncset.done $0x0  }
0x18: {  	[sflag:s23] =	ssyncadd.s32 s4;
	_ =	sdelay $0x1  }
0x19: {  	s24 =	simm.s32 $0x1B8B  }
0x1a: {  	_ =	swait.ge [sflag:s24], $0x1  }
0x1b: {  	[sflag:s24] =	ssyncset.done $0x0  }
0x1c: {  	s26 =	simm.s32 $0x1B8E;
	s25 =	sld [smem:$0x3FFE];
	[sflag:s24] =	ssyncadd.s32 $0xFFFFFFFF  }
0x1d: {  	s27 =	simm.s32 $execute0_lowered;
	[smem:$0x3FD2] =	sst s26  }
0x1e: {  	s5 =	sshll.u32 s27, $0x1;
	_ =	strace $0x80000046;
	[dreg:$0x1] =	wrdreg $0xFFFFFFFF  }
0x1f: {  	s28 =	simm.s32 $_size_execute0_lowered;
	s3 =	sadd.s32 s3, s5;
	[dreg:$0x0] =	wrdreg $0x0  }
0x20: {  	s5 =	sshll.u32 s28, $0x1;
	[dreg:$0x2] =	wrdreg s3  }
0x21: {  	[dreg:$0x3] =	wrdreg s5  }
0x22: {  	[dreg:$0x4] =	wrdreg $0xC0  }
0x23: {  	_ =	task [dreg:s7], $0x5FFFF  }
0x24: {  	[dreg:$0x1] =	wrdreg $0xFFFFFFFF  }
0x25: {  	[dreg:$0x0] =	wrdreg $0x60  }
0x26: {  	[dreg:$0x2] =	wrdreg s2  }
0x27: {  	[dreg:$0x3] =	wrdreg s25  }
0x28: {  	[dreg:$0x4] =	wrdreg $0x9  }
0x29: {  	_ =	task.clear_ibuf [dreg:s7], $0x5FFFF;
	_ =	strace $0x90000046  }
0x2a: {  	s29 =	simm.s32 $0x9;
	_ =	strace $0x80000048  }
0x2b: {  	_ =	swait.ge [sflag:s29], $0x1  }
0x2c: {  	[sflag:s29] =	ssyncadd.s32 $0xFFFFFFFF  }
0x2d: {  	_ =	strace $0x90000048  }
0x2e: {  	_ =	sfence  }
0x2f: {  	s30 =	sld [smem:$0x0];
	_ =	sdelay $0x2  }
0x30: {  	s31 =	sshll.u32 s1, $0xD;
	s1 =	sshrl.u32 s1, $0x2  }
0x31: {  	s3 =	sand.u32 $0x4000, s31;
	s1 =	sadd.s32 s1, s30  }
0x32: {  	s0 =	sor.u32 s3, s0;
	s1 =	sshll.u32 s1, $0x11  }
0x33: {  	s0 =	sor.u32 s1, s0  }
0x34: {  	s0 =	sadd.s32 $0x8F2B, s0  }
0x35: {  	[sflag:s0] =	ssyncadd.remote.s32 $0x1  }
0x36: {  	_ =	sfence.sel $0xFFFF  }
0x37: {  	[dreg:$0x0] =	wrdreg $0xFFFFFFFF;
	(pc) =	sbr.abs _section_cstart, $3  }
0x38: {  	[dreg:$0x1] =	wrdreg $0xFFFFFFFF  }
0x39: {  	_ =	task.clear_ibuf [dreg:s7], $0x2FFFF;
	_ =	strace $0x9FFFFFFF  }
0x3a: {  	(tm) =	ssettm $0x7FFFFFFF  }
0x3b: {  	_ =	shalt  }
tec
execute0_lowered:
.L_overlay_start_1:
0x0: {  	(tag) =	ssettag $0x1  }
0x1: {  	s0 =	srdreg.scid  }
0x2: {  	s1 =	sshll.u32 s0, $0x4  }
0x3: {  	s2 =	rddreg [dreg:$0x0];
	s0 =	stileid.u32;
	s1 =	sand.u32 $0x10, s1  }
0x4: {  	s4 =	rddreg [dreg:$0x1];
	s7 =	simm.s32 $0x1;
	s1 =	sor.u32 s0, s1  }
0x5: {  	s8 =	simm.s32 $0x2;
	s9 =	simm.s32 $0x0;
	s3 =	sshll.u32 s1, $0x1  }
0x6: {  	s12 =	simm.s32 $0x0;
	s11 =	simm.s32 $0x0;
	s6 =	ssub.s32 $0x400, s3  }
.Ltmp0:
0x7: {  	s4 =	sadd.s32 $0x1000, s4;
	s5 =	sand.u32 $0x3E, s6;
	(pc) =	sbr.rel .LBB1_1-.Ltmp0, $4  }
0x8: {  	s1 =	rddreg [dreg:$0x2];
	_ =	strace $0x80000047;
	p0 =	sne.s32 s5, $0x0  }
0x9: {  	s6 =	sshrl.u32 s6, $0x6;
	s5 =	simm.s32 $0x1;
	s7 =	simm.s32 @!p0 $0x0  }
0xa: {  	s10 =	smov.u32 s3;
	[sflag:s5] =	ssyncpa.u1 $0x0;
	s6 =	sadd.s32 s7, s6  }
0xb: {  	[sflag:s8] =	ssyncpa.u1 $0x0;
	s8 =	simm.s32 $0x0;
	s7 =	sadd.s32 $0x1, s6  }
.LBB1_9:
0xc: {  	s14 =	sadd.s32 $0x40, s10  }
0xd: {  	p1 =	sgt.s32 s14, $0x3FF  }
0xe: {  	s14 =	smov.u32 @p1 s3;
	p1 =	sne.s32 s11, s7  }
.Ltmp1:
0xf: {  	p0 =	slt.u32 s11, $0x2;
	(pc) =	sbr.rel @!p1 .LBB1_10-.Ltmp1, $4  }
0x10: {  	s13 =	simm.s32 @!p0 $0x2  }
0x11: {  	s15 =	sadd.s32 $0x1, s11;
	_ =	swait.ge @!p0 [sflag:s13], $0x4000  }
0x12: {  	s12 =	smov.u32 s10;
	s9 =	sadd.s32 $0x4000, s9;
	[sflag:s13] =	ssyncset.done @!p0 $0x0  }
0x13: {  	s11 =	smov.u32 s15;
	s10 =	smov.u32 s14;
	[sflag:s13] =	ssyncadd.s32 @!p0 $0xFFFFC000  }
.LBB1_1:
0x14: {  	p0 =	sge.u32 s11, s6  }
0x15: {  	s13 =	sxor.u32 @!p0 $0xFFFFFFFF, s11  }
0x16: {  	s31 =	sadd.s32 $0xFFFFFFFF, s11;
	s14 =	sshll.u32 @!p0 s10, $0xA;
	s13 =	sshll.u32 @!p0 s13, $0xE  }
0x17: {  	s15 =	simm.s32 @!p0 $0x0;
	s14 =	sadd.s32 @!p0 s2, s14;
	s13 =	sand.u32 @!p0 $0x4000, s13  }
0x18: {  	[tilespmem:s13], [sflag:$0x1] =	stream.linear.gather @!p0 [hbm4b:s14+s15], $0x4000, $0x38;
	[tilespmem:$0x10000] =	vst v63  }
0x19: {  	p0 =	sge.u32 s31, s6  }
.Ltmp2:
0x1a: {  	_ = 	snop;
	(pc) =	sbr.rel @p0 .LBB1_9-.Ltmp2, $1  }
0x1b: {  	_ =	sdelay $0x3  }
0x1c: {  	s13 =	sshll.u32 s9, $0x2  }
0x1d: {  	_ =	swait.ge [sflag:s5], $0x4000;
	s14 =	sshll.u32 s11, $0xE;
	s16 =	simm.s32 $0x0  }
0x1e: {  	p1 =	por $0x1, $0x1;
	s13 =	sand.u32 $0x10000, s13;
	[sflag:s5] =	ssyncset.done $0x0  }
0x1f: {  	s14 =	sand.u32 $0x4000, s14;
	s15 =	sshrl.u32 s13, $0x2;
	[sflag:s5] =	ssyncadd.s32 $0xFFFFC000  }
0x20: {  	s13 =	sor.u32 $0x8000, s14;
	s14 =	sadd.s32 $0x8040, s15;
	s15 =	sadd.s32 $0x40, s15  }
.LBB1_3:
0x21: {  	s16 =	sshll.u32 s16, $0x2  }
0x22: {  	p0 =	por p1, p1;
	s17 =	sshra.s32 s16, $0x2  }
0x23: {  	s18 =	simm.s32 $0x0;
	s16 =	sadd.s32 s17, s14;
	s17 =	sadd.s32 s17, s15  }
.LBB1_4:
0x24: {  	v0 =	vmov s17;
	_ =	sdelay $0x3  }
0x25: {  	s20 =	simm.s32 $0x0  }
0x26: {  	v6 =	vld.idx.msk [tilespmem:v0+s20+$0x30 ss:$0x1], $0xffff  }
0x27: {  	v7 =	vld.idx.msk [tilespmem:v0+s20+$0xFFFFFFC0 ss:$0x1], $0xffff  }
0x28: {  	v5 =	vld.idx.msk [tilespmem:v0+s20+$0xFFFFFFD0 ss:$0x1], $0xffff  }
0x29: {  	v4 =	vld.idx.msk [tilespmem:v0+s20+$0xFFFFFFE0 ss:$0x1], $0xffff  }
0x2a: {  	v3 =	vld.idx.msk [tilespmem:v0+s20+$0xFFFFFFF0 ss:$0x1], $0xffff  }
0x2b: {  	v1 =	vld.idx.msk [tilespmem:v0+s20+$0x0 ss:$0x1], $0xffff  }
0x2c: {  	v2 =	vld.idx.msk [tilespmem:v0+s20+$0x10 ss:$0x1], $0xffff;
	[tilespmem:s16+$0x30] =	vst v6  }
0x2d: {  	s19 =	simm.s32 $0x80;
	s21 =	simm.s32 $0x400;
	[tilespmem:s16+$0xFFFFFFC0] =	vst v7;
	v6 =	vld.idx.msk [tilespmem:v0+s20+$0x20 ss:$0x1], $0xffff;
	s20 =	smov.u32 s16  }
.LBB1_5:
0x2e: {  	p1 =	sne.s32 s21, $0xE00;
	v7 =	vld.idx.msk [tilespmem:v0+s19+$0x30 ss:$0x1], $0xffff;
	[tilespmem:s20+$0xFFFFFFD0] =	vst v5  }
0x2f: {  	v8 =	vld.idx.msk [tilespmem:v0+s19+$0xFFFFFFC0 ss:$0x1], $0xffff;
	[tilespmem:s20+$0xFFFFFFE0] =	vst v4  }
0x30: {  	v5 =	vld.idx.msk [tilespmem:v0+s19+$0xFFFFFFD0 ss:$0x1], $0xffff;
	[tilespmem:s20+$0xFFFFFFF0] =	vst v3  }
.Ltmp3:
0x31: {  	v4 =	vld.idx.msk [tilespmem:v0+s19+$0xFFFFFFE0 ss:$0x1], $0xffff;
	[tilespmem:s20+$0x0] =	vst v1;
	(pc) =	sbr.rel @p1 .LBB1_5-.Ltmp3, $4  }
0x32: {  	v3 =	vld.idx.msk [tilespmem:v0+s19+$0xFFFFFFF0 ss:$0x1], $0xffff;
	[tilespmem:s20+$0x10] =	vst v2  }
0x33: {  	v1 =	vld.idx.msk [tilespmem:v0+s19+$0x0 ss:$0x1], $0xffff;
	[tilespmem:s20+$0x20] =	vst v6;
	s20 =	sadd.s32 $0x400, s20  }
0x34: {  	v2 =	vld.idx.msk [tilespmem:v0+s19+$0x10 ss:$0x1], $0xffff;
	[tilespmem:s20+$0x30] =	vst v7  }
0x35: {  	[tilespmem:s20+$0xFFFFFFC0] =	vst v8;
	v6 =	vld.idx.msk [tilespmem:v0+s19+$0x20 ss:$0x1], $0xffff;
	s19 =	sshra.s32 s21, $0x2;
	s21 =	sadd.s32 $0x200, s21  }
0x36: {  	_ =	sdelay $0x2  }
0x37: {  	[tilespmem:s20+$0xFFFFFFD0] =	vst v5  }
0x38: {  	v56 =	vld.idx.msk [tilespmem:v0+s19+$0x30 ss:$0x1], $0xffff;
	[tilespmem:s20+$0xFFFFFFE0] =	vst v4  }
0x39: {  	v57 =	vld.idx.msk [tilespmem:v0+s19+$0xFFFFFFC0 ss:$0x1], $0xffff;
	[tilespmem:s20+$0xFFFFFFF0] =	vst v3  }
0x3a: {  	v58 =	vld.idx.msk [tilespmem:v0+s19+$0xFFFFFFD0 ss:$0x1], $0xffff;
	[tilespmem:s20+$0x0] =	vst v1  }
0x3b: {  	v59 =	vld.idx.msk [tilespmem:v0+s19+$0xFFFFFFE0 ss:$0x1], $0xffff;
	[tilespmem:s20+$0x10] =	vst v2  }
0x3c: {  	v60 =	vld.idx.msk [tilespmem:v0+s19+$0xFFFFFFF0 ss:$0x1], $0xffff;
	s31 =	sadd.s32 $0x400, s20;
	[tilespmem:s20+$0x20] =	vst v6  }
0x3d: {  	v61 =	vld.idx.msk [tilespmem:v0+s19+$0x0 ss:$0x1], $0xffff;
	[tilespmem:s31+$0x30] =	vst v56  }
0x3e: {  	v62 =	vld.idx.msk [tilespmem:v0+s19+$0x10 ss:$0x1], $0xffff;
	s18 =	sadd.s32 $0x1, s18;
	[tilespmem:s31+$0xFFFFFFC0] =	vst v57  }
0x3f: {  	v63 =	vld.idx.msk [tilespmem:v0+s19+$0x20 ss:$0x1], $0xffff;
	p1 =	sne.s32 s18, $0x8;
	[tilespmem:s31+$0xFFFFFFD0] =	vst v58  }
.Ltmp4:
0x40: {  	[tilespmem:s31+$0xFFFFFFE0] =	vst v59;
	(pc) =	sbr.rel @p1 .LBB1_4-.Ltmp4, $4  }
0x41: {  	[tilespmem:s31+$0xFFFFFFF0] =	vst v60  }
0x42: {  	[tilespmem:s31+$0x0] =	vst v61  }
0x43: {  	[tilespmem:s31+$0x10] =	vst v62  }
0x44: {  	s16 =	sadd.s32 $0x80, s16;
	s17 =	sadd.s32 $0x400, s17;
	[tilespmem:s31+$0x20] =	vst v63  }
.Ltmp5:
0x45: {  	(pc) =	sbr.rel @p0 .LBB1_3-.Ltmp5, $2  }
0x46: {  	_ =	sdelay $0x2  }
0x47: {  	s16 =	simm.s32 $0x2000;
	p1 =	por $0x0, $0x0  }
.Ltmp6:
0x48: {  	(pc) =	sbr.rel .LBB1_9-.Ltmp6, $4  }
0x49: {  	_ = 	snop  }
0x4a: {  	s12 =	sshll.u32 s12, $0xA  }
0x4b: {  	s12 =	sadd.s32 s4, s12  }
0x4c: {  	[hbm4b:s12+s8] =	stream.linear.scatter [tilespmem:s13], [sflag:$0x2], $0x4000, $0x38;
	[tilespmem:$0x10000] =	vst v63  }
.LBB1_10:
0x4d: {  	_ =	sfence.sel $0x180000  }
0x4e: {  	s2 =	simm.s32 $0x1;
	[bflag:$0x0] =	sbarrier.arrive $0xFFFF  }
0x4f: {  	s31 =	simm.s32 $0x2;
	[sflag:s2] =	ssyncpa.u1 $0x1  }
0x50: {  	[sflag:s31] =	ssyncpa.u1 $0x1  }
0x51: {  	p0 =	sne.s32 s0, $0x0;
	_ =	strace $0x90000047  }
0x52: {  	s0 =	sadd.s32 @!p0 $0x100000, s1;
	[bflag:$0x2] =	sbarrier.arrive $0xFFFF  }
0x53: {  	[sflag:s0] =	ssyncadd.tile.s32 @!p0 $0x1;
	_ =	shalt  }
.Lfunc_end1:
_tile_overlayer_lowered:
.L_overlay_start_2:
0x54: {  	(tag) =	ssettag $0x2  }
0x55: {  	s0 =	rddreg [dreg:$0x0];
	s2 =	stileid.u32  }
0x56: {  	s1 =	rddreg [dreg:$0x1];
	p0 =	sne.s32 s2, $0x0  }
0x57: {  	s3 =	rddreg [dreg:$0x2];
	[bflag:$0x3] =	sbarrier.arrive $0xFFFF;
	s2 =	simm.s32 @!p0 $0x1C01  }
0x58: {  	[timem:s3], [sflag:s2] =	dma.local @!p0 [hbm:s0], s1  }
0x59: {  	s0 =	simm.s32 @!p0 $0x1  }
0x5a: {  	_ =	swait.ge @!p0 [sflag:s0], s1  }
0x5b: {  	s1 =	ssub.s32 @!p0 $0x0, s1;
	[sflag:s0] =	ssyncset.done @!p0 $0x0  }
0x5c: {  	[sflag:s0] =	ssyncadd.s32 @!p0 s1  }
0x5d: {  	[bflag:$0x3] =	sbarrier.arrive $0xFFFF  }
0x5e: {  	_ =	shalt  }

</sc_bundles>
